<compile_context>
chip_gen: v7x
topology: tpu7x:2x2x1
jax: 0.10.2.dev20260603
libtpu: 0.0.44.dev20260713+nightly
codegen_flags: <defaults>
</compile_context>

<pallas_src>
import jax
import jax.numpy as jnp
from jax import lax
from jax.experimental import pallas as pl
from jax.experimental.pallas import tpu as pltpu
from jax.experimental.pallas import tpu_sc as plsc

_NC = 2
_NS = 16
_L = 16

_B, _F, _H, _WD = 16, 512, 32, 32
_FT = _F // 128
_JT = _WD // 8
_RUNS = _JT * _FT * 8


def _body(w_hbm, out_hbm, idx, gbuf, sem):
    i = lax.axis_index("s") * _NC + lax.axis_index("c")
    di = jnp.abs(_H // 2 - i)

    lane = lax.iota(jnp.int32, _L)

    def build(h, carry):
        n = h * _L + lane
        jt = n >> 5
        ft = (n >> 3) & (_FT - 1)
        jin = n & 7
        j = jt * 8 + jin
        z = jnp.maximum(jnp.abs(_WD // 2 - j) + di - 1, 0)
        idx[pl.ds(h * _L, _L)] = ((z >> 3) << 5) + (ft << 3) + (z & 7)
        return carry

    lax.fori_loop(0, _RUNS // _L, build, 0)

    pltpu.async_copy(w_hbm.at[idx], gbuf, sem).wait()

    def fire(b, carry):
        pltpu.async_copy(gbuf, out_hbm.at[pl.ds(b * _H * _RUNS + i * _RUNS, _RUNS)], sem)
        return carry

    lax.fori_loop(0, _B, fire, 0)

    def drain(b, carry):
        pltpu.make_async_copy(gbuf, out_hbm.at[pl.ds(b * _H * _RUNS + i * _RUNS, _RUNS)], sem).wait()
        return carry

    lax.fori_loop(0, _B, drain, 0)


def kernel(x, W):
    del x
    mesh = plsc.VectorSubcoreMesh(core_axis_name="c", subcore_axis_name="s")
    f = pl.kernel(
        _body,
        mesh=mesh,
        compiler_params=pltpu.CompilerParams(
            needs_layout_passes=False,
            disable_bounds_checks=True,
            disable_semaphore_checks=True,
            skip_device_barrier=True,
        ),
        out_type=jax.ShapeDtypeStruct((_B * _H * _RUNS, 128), jnp.float32),
        scratch_types=[
            pltpu.VMEM((_RUNS,), jnp.int32),
            pltpu.VMEM((_RUNS, 128), jnp.float32),
            pltpu.SemaphoreType.DMA,
        ],
    )
    wp = W.reshape(_H // 8, 8, _FT, 128).transpose(0, 2, 1, 3)
    out = f(wp.reshape(_H * _FT, 128))
    out = out.reshape(_B, _H, _JT, _FT, 8, 128)
    out = out.transpose(0, 3, 5, 1, 2, 4)
    return out.reshape(_B, _F, _H, _WD)

# --- scband reference (transcript-rebuilt; emitter-appended) ---
"""Pipeline reference for scband-positional-encoding-13245679141210 (READ-ONLY COPY).

The authoritative reference and input builder live on the scoring server;
editing this copy changes nothing except your own understanding.
"""

import jax, jax.numpy as jnp
import numpy as np


def setup_inputs(seed: int = 0) -> dict:
    key = jax.random.key(seed)
    k1, k2 = jax.random.split(key)
    x = jax.random.normal(k1, (16, 768, 32, 32), dtype=jnp.float32)
    # row_embed weight: nn.init.uniform_ -> U[0, 1)
    W = jax.random.uniform(k2, (32, 512), dtype=jnp.float32)
    return {"x": x, "W": W}


def reference(x, W):
    h, w = x.shape[-2], x.shape[-1]
    cy, cx = h // 2, w // 2
    i = jnp.arange(h)
    j = jnp.arange(w)
    # shortest-path (manhattan) distance matrix, clamped at 0
    Z = jnp.maximum(jnp.abs(cx - j)[None, :] + jnp.abs(cy - i)[:, None] - 1, 0)
    # embedding lookup: gather rows of W by Z -> [h, w, num_pos_feats]
    pos = jnp.take(W, Z, axis=0)
    # permute to [num_pos_feats, h, w], add batch dim, repeat over batch
    pos = jnp.transpose(pos, (2, 0, 1))[None, :, :, :]
    pos = jnp.tile(pos, (x.shape[0], 1, 1, 1))
    return pos

if __name__ == "__main__":
    import jax
    _d = setup_inputs()
    print(jax.jit(kernel)(*tuple(_d.values())))

</pallas_src>

<mosaic_0001>
#map = affine_map<(d0, d1) -> (0, 0)>
module attributes {stable_mosaic.version = 14 : i64} {
  func.func @_body(%arg0: i32, %arg1: i32, %arg2: memref<128x128xf32, #tpu.memory_space<hbm>>, %arg3: memref<65536x128xf32, #tpu.memory_space<hbm>>, %arg4: memref<128xi32, #tpu.memory_space<vmem>>, %arg5: memref<128x128xf32, #tpu.memory_space<vmem>>, %arg6: memref<!tpu.dma_semaphore, #tpu.memory_space<semaphore_mem>>) attributes {dimension_semantics = [#tpu.dimension_semantics<core_parallel>, #tpu.dimension_semantics<subcore_parallel>], iteration_bounds = array<i64: 2, 16>, scalar_prefetch = 0 : i64, scratch_operands = 3 : i64, tpu.core_type = #tpu.core_type<sc_vector_subcore>, window_params = [{transform_indices = #map}, {transform_indices = #map}]} {
    %mul3A = arith.constant 2 : i32
    %mul3A_0 = arith.muli %arg1, %mul3A : i32
    %add3A = arith.addi %mul3A_0, %arg0 : i32
    %sub3A = arith.constant 16 : i32
    %sub3A_1 = arith.subi %sub3A, %add3A : i32
    %abs3A = math.absi %sub3A_1 : i32
    %iota3A = tpu.iota {dimensions = array<i32: 0>} : vector<16xi32>
    %scan3A = arith.constant 0 : i32
    %scan3A_2 = arith.constant 0 : i32
    %scan3A_3 = arith.constant 8 : i32
    %scan3A_4 = arith.addi %scan3A_2, %scan3A_3 : i32
    %scan3A_5 = arith.constant 1 : i32
    scf.for %scan3A_23 = %scan3A_2 to %scan3A_4 step %scan3A_5  : i32 {
      %mul3A_24 = arith.constant 16 : i32
      %mul3A_25 = arith.muli %scan3A_23, %mul3A_24 : i32
      %add3A_26 = vector.broadcast %mul3A_25 : i32 to vector<16xi32>
      %add3A_27 = arith.addi %add3A_26, %iota3A : vector<16xi32>
      %shift_right_arithmetic3A = arith.constant 5 : i32
      %shift_right_arithmetic3A_28 = vector.broadcast %shift_right_arithmetic3A : i32 to vector<16xi32>
      %shift_right_arithmetic3A_29 = arith.shrsi %add3A_27, %shift_right_arithmetic3A_28 : vector<16xi32>
      %shift_right_arithmetic3A_30 = arith.constant 3 : i32
      %shift_right_arithmetic3A_31 = vector.broadcast %shift_right_arithmetic3A_30 : i32 to vector<16xi32>
      %shift_right_arithmetic3A_32 = arith.shrsi %add3A_27, %shift_right_arithmetic3A_31 : vector<16xi32>
      %and3A = arith.constant 3 : i32
      %and3A_33 = vector.broadcast %and3A : i32 to vector<16xi32>
      %and3A_34 = arith.andi %shift_right_arithmetic3A_32, %and3A_33 : vector<16xi32>
      %and3A_35 = arith.constant 7 : i32
      %and3A_36 = vector.broadcast %and3A_35 : i32 to vector<16xi32>
      %and3A_37 = arith.andi %add3A_27, %and3A_36 : vector<16xi32>
      %mul3A_38 = arith.constant 8 : i32
      %mul3A_39 = vector.broadcast %mul3A_38 : i32 to vector<16xi32>
      %mul3A_40 = arith.muli %shift_right_arithmetic3A_29, %mul3A_39 : vector<16xi32>
      %add3A_41 = arith.addi %mul3A_40, %and3A_37 : vector<16xi32>
      %sub3A_42 = arith.constant 16 : i32
      %sub3A_43 = vector.broadcast %sub3A_42 : i32 to vector<16xi32>
      %sub3A_44 = arith.subi %sub3A_43, %add3A_41 : vector<16xi32>
      %abs3A_45 = math.absi %sub3A_44 : vector<16xi32>
      %add3A_46 = vector.broadcast %abs3A : i32 to vector<16xi32>
      %add3A_47 = arith.addi %abs3A_45, %add3A_46 : vector<16xi32>
      %sub3A_48 = arith.constant 1 : i32
      %sub3A_49 = vector.broadcast %sub3A_48 : i32 to vector<16xi32>
      %sub3A_50 = arith.subi %add3A_47, %sub3A_49 : vector<16xi32>
      %max3A = arith.constant 0 : i32
      %max3A_51 = vector.broadcast %max3A : i32 to vector<16xi32>
      %max3A_52 = arith.maxsi %sub3A_50, %max3A_51 : vector<16xi32>
      %shift_right_arithmetic3A_53 = arith.constant 3 : i32
      %shift_right_arithmetic3A_54 = vector.broadcast %shift_right_arithmetic3A_53 : i32 to vector<16xi32>
      %shift_right_arithmetic3A_55 = arith.shrsi %max3A_52, %shift_right_arithmetic3A_54 : vector<16xi32>
      %shift_left3A = arith.constant 5 : i32
      %shift_left3A_56 = vector.broadcast %shift_left3A : i32 to vector<16xi32>
      %shift_left3A_57 = arith.shli %shift_right_arithmetic3A_55, %shift_left3A_56 : vector<16xi32>
      %shift_left3A_58 = arith.constant 3 : i32
      %shift_left3A_59 = vector.broadcast %shift_left3A_58 : i32 to vector<16xi32>
      %shift_left3A_60 = arith.shli %and3A_34, %shift_left3A_59 : vector<16xi32>
      %add3A_61 = arith.addi %shift_left3A_57, %shift_left3A_60 : vector<16xi32>
      %and3A_62 = arith.constant 7 : i32
      %and3A_63 = vector.broadcast %and3A_62 : i32 to vector<16xi32>
      %and3A_64 = arith.andi %max3A_52, %and3A_63 : vector<16xi32>
      %add3A_65 = arith.addi %add3A_61, %and3A_64 : vector<16xi32>
      %mul3A_66 = arith.constant 16 : i32
      %mul3A_67 = arith.muli %scan3A_23, %mul3A_66 : i32
      %swap3A = arith.index_cast %mul3A_67 : i32 to index
      %swap3A_68 = tpu.vector_load %arg4[%swap3A] {strides = array<i32>} : memref<128xi32, #tpu.memory_space<vmem>>, vector<16xi32>,
      tpu.vector_store %arg4[%swap3A], %add3A_65 {strides = array<i32>} : memref<128xi32, #tpu.memory_space<vmem>>, vector<16xi32>,
    }
    %scan3A_6 = arith.constant 8 : i32
    %dma_start3A = arith.constant 0 : i32
    %dma_start3A_7 = arith.constant 0 : i32
    %dma_start3A_8 = tpu.memref_slice %arg2[%dma_start3A, %dma_start3A_7] : memref<128x128xf32, #tpu.memory_space<hbm>> -> memref<128x128xf32, #tpu.memory_space<hbm>>
    tpu.enqueue_indirect_dma source(%dma_start3A_8 : memref<128x128xf32, #tpu.memory_space<hbm>>) target(%arg5 : memref<128x128xf32, #tpu.memory_space<vmem>>) offsets(%arg4 : memref<128xi32, #tpu.memory_space<vmem>>) semaphore(%arg6 : memref<!tpu.dma_semaphore, #tpu.memory_space<semaphore_mem>>)
    %dma_wait3A = arith.constant 0 : i32
    %dma_wait3A_9 = arith.constant 0 : i32
    %dma_wait3A_10 = tpu.memref_slice %arg2[%dma_wait3A, %dma_wait3A_9] : memref<128x128xf32, #tpu.memory_space<hbm>> -> memref<128x128xf32, #tpu.memory_space<hbm>>
    tpu.wait_indirect_dma semaphore(%arg6 : memref<!tpu.dma_semaphore, #tpu.memory_space<semaphore_mem>>) src(%dma_wait3A_10 : memref<128x128xf32, #tpu.memory_space<hbm>>) dst(%arg5 : memref<128x128xf32, #tpu.memory_space<vmem>>)
    %scan3A_11 = arith.constant 0 : i32
    %scan3A_12 = arith.constant 0 : i32
    %scan3A_13 = arith.constant 16 : i32
    %scan3A_14 = arith.addi %scan3A_12, %scan3A_13 : i32
    %scan3A_15 = arith.constant 1 : i32
    scf.for %scan3A_23 = %scan3A_12 to %scan3A_14 step %scan3A_15  : i32 {
      %mul3A_24 = arith.constant 32 : i32
      %mul3A_25 = arith.muli %scan3A_23, %mul3A_24 : i32
      %mul3A_26 = arith.constant 128 : i32
      %mul3A_27 = arith.muli %mul3A_25, %mul3A_26 : i32
      %mul3A_28 = arith.constant 128 : i32
      %mul3A_29 = arith.muli %add3A, %mul3A_28 : i32
      %add3A_30 = arith.addi %mul3A_27, %mul3A_29 : i32
      %dma_start3A_31 = arith.constant 0 : i32
      %dma_start3A_32 = tpu.memref_slice %arg3[%add3A_30, %dma_start3A_31] : memref<65536x128xf32, #tpu.memory_space<hbm>> -> memref<128x128xf32, #tpu.memory_space<hbm>>
      %dma_start3A_33 = arith.constant 0 : i32
      %dma_start3A_34 = tpu.memref_slice %arg3[%add3A_30, %dma_start3A_33] : memref<65536x128xf32, #tpu.memory_space<hbm>> -> memref<128x128xf32, #tpu.memory_space<hbm>>
      tpu.enqueue_dma source(%arg5 : memref<128x128xf32, #tpu.memory_space<vmem>>) target(%dma_start3A_34 : memref<128x128xf32, #tpu.memory_space<hbm>>) target_semaphore(%arg6 : memref<!tpu.dma_semaphore, #tpu.memory_space<semaphore_mem>>)
    }
    %scan3A_16 = arith.constant 16 : i32
    %scan3A_17 = arith.constant 0 : i32
    %scan3A_18 = arith.constant 0 : i32
    %scan3A_19 = arith.constant 16 : i32
    %scan3A_20 = arith.addi %scan3A_18, %scan3A_19 : i32
    %scan3A_21 = arith.constant 1 : i32
    scf.for %scan3A_23 = %scan3A_18 to %scan3A_20 step %scan3A_21  : i32 {
      %mul3A_24 = arith.constant 32 : i32
      %mul3A_25 = arith.muli %scan3A_23, %mul3A_24 : i32
      %mul3A_26 = arith.constant 128 : i32
      %mul3A_27 = arith.muli %mul3A_25, %mul3A_26 : i32
      %mul3A_28 = arith.constant 128 : i32
      %mul3A_29 = arith.muli %add3A, %mul3A_28 : i32
      %add3A_30 = arith.addi %mul3A_27, %mul3A_29 : i32
      %dma_wait3A_31 = arith.constant 0 : i32
      %dma_wait3A_32 = tpu.memref_slice %arg3[%add3A_30, %dma_wait3A_31] : memref<65536x128xf32, #tpu.memory_space<hbm>> -> memref<128x128xf32, #tpu.memory_space<hbm>>
      %dma_wait3A_33 = arith.constant 0 : i32
      %dma_wait3A_34 = tpu.memref_slice %arg3[%add3A_30, %dma_wait3A_33] : memref<65536x128xf32, #tpu.memory_space<hbm>> -> memref<128x128xf32, #tpu.memory_space<hbm>>
      tpu.wait_dma2 semaphore(%arg6 : memref<!tpu.dma_semaphore, #tpu.memory_space<semaphore_mem>>) src(%arg5 : memref<128x128xf32, #tpu.memory_space<vmem>>) dst(%dma_wait3A_34 : memref<128x128xf32, #tpu.memory_space<hbm>>)
    }
    %scan3A_22 = arith.constant 16 : i32
    return
  }
}

</mosaic_0001>

<sc_bundles>
// kernel: kernel.3.cloned.1.call-start
scs
__scs_entry_jumppad:
0x0: {  	(pc) =	sbr.rel $0x88, $3  }
0x1: {  	(tag) =	ssettag $0x0;
	lr =	simm.s32 $0x1  }
0x2: {  	[smem:$0x3FA0] =	sst lr;
	_ =	strace $0xD0000000  }
0x3: {  	_ = 	snop  }
0x4: {  	_ = 	snop  }
0x5: {  	_ = 	snop  }
0x6: {  	_ = 	snop  }
0x7: {  	_ = 	snop  }
__scs_overlays_trampoline_lowered:
0x8: {  	[smem:$0x3FAF] =	sst s0  }
0x9: {  	[smem:$0x3FB0] =	sst s1  }
0xa: {  	[smem:$0x3FB1] =	sst s2  }
0xb: {  	[smem:$0x3FB2] =	sst s3  }
0xc: {  	[smem:$0x3FB3] =	sst s4  }
0xd: {  	[smem:$0x3FB4] =	sst s5  }
0xe: {  	[smem:$0x3FB5] =	sst s6  }
0xf: {  	[smem:$0x3FB6] =	sst s7  }
0x10: {  	[smem:$0x3FB7] =	sst s8  }
0x11: {  	[smem:$0x3FB8] =	sst s9;
	s0 =	simm.s32 @!p0 $0x0  }
0x12: {  	s1 =	sld [smem:$0x3F9E];
	s0 =	simm.s32 @p0 $0x1  }
0x13: {  	[smem:$0x3FB9] =	sst s0;
	s0 =	simm.s32 @!p1 $0x0  }
0x14: {  	s2 =	sld [smem:$0x3F9D];
	s0 =	simm.s32 @p1 $0x1  }
0x15: {  	[smem:$0x3FBA] =	sst s0;
	s0 =	simm.s32 @!p2 $0x0  }
0x16: {  	s3 =	sld [smem:$0x3FDB];
	s0 =	simm.s32 @p2 $0x1  }
0x17: {  	s4 =	simm.s32 $0x1BF5;
	[smem:$0x3FBC] =	sst s0  }
0x18: {  	s0 =	sld [smem:$0x3F9F];
	_ =	swait.ge [sflag:s4], $0x0  }
0x19: {  	s7 =	sld [smem:$0x3FA0]  }
0x1a: {  	s8 =	sadd.s32 $0xFFFFE003, lr  }
0x1b: {  	s9 =	sadd.s32 $0xFFFFFEF7, lr;
	s5 =	simm.s32 $0xFFFFFFFF;
	p2 =	slt.u32 s8, $0xFFFFF086  }
0x1c: {  	p1 =	slt.u32 s9, $0xF7A;
	s5 =	simm.s32 @!p2 $0x0  }
0x1d: {  	s5 =	simm.s32 @p1 $0x1;
	p0 =	seq.s32 s7, s2  }
0x1e: {  	s7 =	smul.u32 @!p0 $0xF7A, s2;
	p2 =	seq.s32 @!p0 s5, $0x0  }
0x1f: {  	s9 =	smul.u32 $0xF7A, s1;
	s8 =	simm.s32 @!p0 $0x1BF5;
	p2 =	por !p2, p0  }
0x20: {  	[sflag:s8] =	ssyncset.s32 @!p0 $0xFFFFF086;
	s6 =	sadd.s32 @!p0 s3, s7;
	s7 =	simm.s32 @!p0 $0x108  }
0x21: {  	s3 =	sadd.s32 s3, s9;
	s6 =	sadd.s32 @!p0 $0x88, s6;
	s7 =	simm.s32 @p2 $0x1082  }
0x22: {  	[simem:s7], [sflag:s8] =	dma.local @!p0 [hbm:s6], $0xF7A  }
0x23: {  	s9 =	sor.u32 $0xD0000000, s2;
	s6 =	simm.s32 $0x108;
	_ =	swait.ge @!p0 [sflag:s8], $0x0  }
0x24: {  	s3 =	sadd.s32 $0x88, s3;
	s6 =	simm.s32 @!p1 $0x1082;
	[sflag:s4] =	ssyncset.s32 $0xFFFFF086  }
0x25: {  	[simem:s6], [sflag:s4] =	dma.local [hbm:s3], $0xF7A  }
0x26: {  	[smem:$0x3FA0] =	sst s1;
	(tag) =	ssettag s2;
	_ =	strace s9  }
0x27: {  	s1 =	sld [smem:$0x3FB0]  }
0x28: {  	s2 =	sld [smem:$0x3FB1]  }
0x29: {  	s4 =	sld [smem:$0x3FB3]  }
0x2a: {  	p0 =	seq.s32 s5, $0x0;
	s5 =	sld [smem:$0x3FB4]  }
0x2b: {  	s6 =	sld [smem:$0x3FB5]  }
0x2c: {  	s7 =	sld [smem:$0x3FB6]  }
0x2d: {  	s3 =	simm.s32 $0x108;
	s8 =	sld [smem:$0x3FB7]  }
0x2e: {  	s3 =	simm.s32 @!p0 $0x1082;
	s9 =	sld [smem:$0x3FB8]  }
0x2f: {  	lr =	sadd.s32 s0, s3;
	s0 =	sld [smem:$0x3FAF]  }
0x30: {  	s3 =	sld [smem:$0x3FB2]  }
0x31: {  	[smem:$0x3FBB] =	sst s10  }
0x32: {  	s10 =	sld [smem:$0x3FB9];
	_ =	sdelay $0x3  }
0x33: {  	p0 =	seq.s32 s10, $0x1;
	s10 =	sld [smem:$0x3FBB];
	_ =	sdelay $0x3  }
0x34: {  	[smem:$0x3FBB] =	sst s10  }
0x35: {  	s10 =	sld [smem:$0x3FBA];
	_ =	sdelay $0x3  }
0x36: {  	p1 =	seq.s32 s10, $0x1;
	s10 =	sld [smem:$0x3FBB];
	_ =	sdelay $0x3  }
0x37: {  	[smem:$0x3FBB] =	sst s10  }
0x38: {  	s10 =	sld [smem:$0x3FBC]  }
0x39: {  	_ = 	snop;
	(pc) =	sbr.ind lr, $3  }
0x3a: {  	_ = 	snop  }
0x3b: {  	_ = 	snop  }
0x3c: {  	p2 =	seq.s32 s10, $0x1;
	s10 =	sld [smem:$0x3FBB]  }
0x3d: {  	_ =	shalt  }
0x3e: {  	_ =	shalt  }
0x3f: {  	_ =	shalt  }
0x40: {  	_ =	shalt  }
0x41: {  	_ =	shalt  }
0x42: {  	_ =	shalt  }
0x43: {  	_ =	shalt  }
0x44: {  	_ =	shalt  }
0x45: {  	_ =	shalt  }
0x46: {  	_ =	shalt  }
0x47: {  	_ =	shalt  }
0x48: {  	_ =	shalt  }
0x49: {  	_ =	shalt  }
0x4a: {  	_ =	shalt  }
0x4b: {  	_ =	shalt  }
0x4c: {  	_ =	shalt  }
0x4d: {  	_ =	shalt  }
0x4e: {  	_ =	shalt  }
0x4f: {  	_ =	shalt  }
0x50: {  	_ =	shalt  }
0x51: {  	_ =	shalt  }
0x52: {  	_ =	shalt  }
0x53: {  	_ =	shalt  }
0x54: {  	_ =	shalt  }
0x55: {  	_ =	shalt  }
0x56: {  	_ =	shalt  }
0x57: {  	_ =	shalt  }
0x58: {  	_ =	shalt  }
0x59: {  	_ =	shalt  }
0x5a: {  	_ =	shalt  }
0x5b: {  	_ =	shalt  }
0x5c: {  	_ =	shalt  }
0x5d: {  	_ =	shalt  }
0x5e: {  	_ =	shalt  }
0x5f: {  	_ =	shalt  }
0x60: {  	_ =	shalt  }
0x61: {  	_ =	shalt  }
0x62: {  	_ =	shalt  }
0x63: {  	_ =	shalt  }
0x64: {  	_ =	shalt  }
0x65: {  	_ =	shalt  }
0x66: {  	_ =	shalt  }
0x67: {  	_ =	shalt  }
0x68: {  	_ =	shalt  }
0x69: {  	_ =	shalt  }
0x6a: {  	_ =	shalt  }
0x6b: {  	_ =	shalt  }
0x6c: {  	_ =	shalt  }
0x6d: {  	_ =	shalt  }
0x6e: {  	_ =	shalt  }
0x6f: {  	_ =	shalt  }
0x70: {  	_ =	shalt  }
0x71: {  	_ =	shalt  }
0x72: {  	_ =	shalt  }
0x73: {  	_ =	shalt  }
0x74: {  	_ =	shalt  }
0x75: {  	_ =	shalt  }
0x76: {  	_ =	shalt  }
0x77: {  	_ =	shalt  }
0x78: {  	_ =	shalt  }
0x79: {  	_ =	shalt  }
0x7a: {  	_ =	shalt  }
0x7b: {  	_ =	shalt  }
0x7c: {  	_ =	shalt  }
0x7d: {  	_ =	shalt  }
0x7e: {  	_ =	shalt  }
0x7f: {  	_ =	shalt  }
0x80: {  	_ =	shalt  }
0x81: {  	_ =	shalt  }
0x82: {  	_ =	shalt  }
0x83: {  	_ =	shalt  }
0x84: {  	_ =	shalt  }
0x85: {  	_ =	shalt  }
0x86: {  	_ =	shalt  }
0x87: {  	_ =	shalt  }
.Lfunc_end0:
.L_simem_size_0:
called_computation_lowered:
.L_overlay_start_0:
0x88: {  	s2 =	sld [smem:$0x3FD9]  }
0x89: {  	s3 =	sld [smem:$0x3FFE];
	_ =	sdelay $0x1  }
0x8a: {  	s1 =	srdreg.scid  }
0x8b: {  	s0 =	sand.u32 $0x1, s1  }
0x8c: {  	s18 =	sshll.u32 s0, $0xA;
	s2 =	sadd.s32 s3, s2  }
0x8d: {  	s2 =	sadd.s32 s2, s18  }
0x8e: {  	[smem:$0x3FC7] =	sst s2  }
0x8f: {  	_ = 	snop  }
0x90: {  	s2 =	sld [smem:$0x3FC9]  }
0x91: {  	s19 =	sld [smem:$0x3FD0];
	(tm) =	ssettm $0x1  }
0x92: {  	s4 =	sld [smem:$0x3FFB];
	_ =	sdelay $0x3  }
0x93: {  	_ =	strace s4  }
0x94: {  	s4 =	sld [smem:$0x3FFC];
	_ =	sdelay $0x3  }
0x95: {  	_ =	strace s4  }
0x96: {  	s4 =	sld [smem:$0x3FFD];
	_ =	sdelay $0x3  }
0x97: {  	_ =	strace s4  }
0x98: {  	_ =	strace $0x8FFFFFFF  }
0x99: {  	s20 =	sld [smem:$0x3FDB];
	_ =	sdelay $0x1  }
0x9a: {  	s5 =	simm.s32 $_scs_section_size  }
0x9b: {  	s6 =	simm.s32 $_size__tile_overlayer_lowered;
	s7 =	simm.s32 $_tile_overlayer_lowered  }
0x9c: {  	s23 =	simm.s32 $0x1BFF;
	s22 =	sshll.u32 s7, $0x1;
	s4 =	sadd.s32 s5, s20  }
0x9d: {  	s8 =	simm.s32 $0x0;
	s21 =	sshll.u32 s6, $0x1;
	s6 =	sadd.s32 s22, s4  }
0x9e: {  	[timem:s8], [sflag:s23] =	dma.local [hbm:s6], s21  }
0x9f: {  	_ =	swait.ge [sflag:s23], s21  }
0xa0: {  	s5 =	ssub.s32 $0x0, s21;
	[sflag:s23] =	ssyncset.done $0x0  }
0xa1: {  	[sflag:s23] =	ssyncadd.s32 s5;
	_ =	sdelay $0x1  }
0xa2: {  	s24 =	simm.s32 $0x1B8B  }
0xa3: {  	_ =	swait.ge [sflag:s24], $0x1  }
0xa4: {  	[sflag:s24] =	ssyncset.done $0x0  }
0xa5: {  	s25 =	simm.s32 $0x1B8E;
	[sflag:s24] =	ssyncadd.s32 $0xFFFFFFFF  }
0xa6: {  	s26 =	simm.s32 $execute0_lowered;
	[smem:$0x3FD2] =	sst s25  }
0xa7: {  	s5 =	sshll.u32 s26, $0x1;
	_ =	strace $0x80000046;
	[dreg:$0x1] =	wrdreg $0xFFFFFFFF  }
0xa8: {  	s28 =	simm.s32 $_size_execute0_lowered;
	s4 =	sadd.s32 s4, s5;
	[dreg:$0x0] =	wrdreg $0x0  }
0xa9: {  	s5 =	sshll.u32 s28, $0x1;
	[dreg:$0x2] =	wrdreg s4  }
0xaa: {  	[dreg:$0x3] =	wrdreg s5  }
0xab: {  	[dreg:$0x4] =	wrdreg $0xC0  }
0xac: {  	_ =	task [dreg:s8], $0x5FFFF  }
0xad: {  	[dreg:$0x1] =	wrdreg $0xFFFFFFFF  }
0xae: {  	[dreg:$0x0] =	wrdreg $0x60  }
0xaf: {  	[dreg:$0x2] =	wrdreg s2  }
0xb0: {  	[dreg:$0x3] =	wrdreg s19  }
0xb1: {  	[dreg:$0x4] =	wrdreg $0x9  }
0xb2: {  	_ =	task.clear_ibuf [dreg:s8], $0x5FFFF;
	_ =	strace $0x90000046  }
0xb3: {  	s29 =	simm.s32 $0x9;
	_ =	strace $0x80000048  }
0xb4: {  	_ =	swait.ge [sflag:s29], $0x1  }
0xb5: {  	[sflag:s29] =	ssyncadd.s32 $0xFFFFFFFF  }
0xb6: {  	_ =	strace $0x90000048  }
0xb7: {  	_ =	sfence  }
0xb8: {  	s30 =	sld [smem:$0x0];
	_ =	sdelay $0x2  }
0xb9: {  	s31 =	sshll.u32 s1, $0xD;
	s1 =	sshrl.u32 s1, $0x2  }
0xba: {  	s3 =	sand.u32 $0x4000, s31;
	s1 =	sadd.s32 s1, s30  }
0xbb: {  	s0 =	sor.u32 s3, s0;
	s1 =	sshll.u32 s1, $0x11  }
0xbc: {  	s0 =	sor.u32 s1, s0  }
0xbd: {  	s0 =	sadd.s32 $0x8F2B, s0  }
0xbe: {  	[sflag:s0] =	ssyncadd.remote.s32 $0x1  }
0xbf: {  	_ =	sfence.sel $0xFFFF  }
0xc0: {  	[dreg:$0x0] =	wrdreg $0xFFFFFFFF;
	(pc) =	sbr.abs _section_cstart, $3  }
0xc1: {  	[dreg:$0x1] =	wrdreg $0xFFFFFFFF  }
0xc2: {  	_ =	task.clear_ibuf [dreg:s8], $0x2FFFF;
	_ =	strace $0x9FFFFFFF  }
0xc3: {  	(tm) =	ssettm $0x7FFFFFFF  }
tec
execute0_lowered:
.L_overlay_start_1:
0x0: {  	(tag) =	ssettag $0x1  }
0x1: {  	s2 =	rddreg [dreg:$0x0]  }
0x2: {  	s4 =	rddreg [dreg:$0x1]  }
0x3: {  	s0 =	rddreg [dreg:$0x2]  }
0x4: {  	s5 =	srdreg.scid;
	s1 =	stileid.u32  }
0x5: {  	s3 =	simm.s32 $0x0;
	s21 =	simm.s32 $0x80;
	s22 =	simm.s32 $0x1  }
0x6: {  	s23 =	simm.s32 $0x0;
	s5 =	sand.u32 $0x1, s5;
	s6 =	sshll.u32 s1, $0x1  }
0x7: {  	[smem:$0x7FF] =	sst s3;
	s7 =	ssub.s32 $0x2, s5;
	s5 =	sor.u32 s5, s6  }
0x8: {  	_ =	strace $0x80000047;
	s30 =	sshrl.u32 s7, $0x1;
	s8 =	ssub.s32 $0x10, s5  }
0x9: {  	s5 =	sshll.u32 s5, $0xB;
	s6 =	ssub.s32 s7, s30;
	s31 =	ssub.s32 $0x0, s8  }
0xa: {  	s4 =	sadd.s32 s4, s5;
	s15 =	smin.u32 s8, s31;
	s5 =	smax.u32 s6, $0x1  }
0xb: {  	v0 =	vlaneseq.u32;
	s6 =	sadd.s32 $0x10000, s4;
	s7 =	sadd.s32 $0x20000, s4;
	s8 =	sadd.s32 $0x30000, s4  }
0xc: {  	v1 =	vand.u32 $0x7, v0;
	s9 =	sadd.s32 $0x40000, s4;
	s10 =	sadd.s32 $0x50000, s4;
	s11 =	sadd.s32 $0x60000, s4;
	v2 =	vmov s15  }
0xd: {  	v3 =	vmul.u32 $0xFFFFFFFF, v1;
	s12 =	sadd.s32 $0x70000, s4;
	s13 =	sadd.s32 $0x80000, s4;
	s14 =	sadd.s32 $0x90000, s4;
	v1 =	vadd.s32 $0xFFFFFFFF, v2  }
0xe: {  	s16 =	sadd.s32 $0xB0000, s4;
	s17 =	sadd.s32 $0xC0000, s4;
	s18 =	sadd.s32 $0xD0000, s4;
	v2 =	vshrl.u32 v0, $0x3;
	v0 =	vbroadcast v1, $0x0  }
0xf: {  	s19 =	sadd.s32 $0xE0000, s4;
	s20 =	sadd.s32 $0xF0000, s4;
	s15 =	sadd.s32 $0xA0000, s4;
	v1 =	vmul.u32 $0x8, v2;
	v2 =	vadd.s32 $0x10, v3  }
.LBB2_1:
0x10: {  	v3 =	vmov s3  }
0x11: {  	v3 =	vshrl.u32 v3, $0x2  }
0x12: {  	v3 =	vand.u32 $0x18, v3  }
0x13: {  	v3 =	vsub.s32 v2, v3  }
0x14: {  	v4 =	vsub.s32 $0x0, v3  }
0x15: {  	s24 =	simm.s32 $0x10;
	v3 =	vmin.u32 v3, v4  }
0x16: {  	v4 =	vmov s24;
	v3 =	vadd.s32 v3, v0  }
0x17: {  	v5 =	vor.u32 s3, v1;
	v4 =	vshrl.u32 v4, $0x2;
	vm0 =	vgt.s32 v3, $0x0  }
0x18: {  	v5 =	vand.u32 $0x18, v5;
	v4 =	vand.u32 $0x18, v4;
	v3 =	vnsel vm0, $0x0, v3  }
0x19: {  	v4 =	vsub.s32 v2, v4;
	v6 =	vshll.u32 v3, $0x2;
	v3 =	vand.u32 $0x7, v3  }
0x1a: {  	v7 =	vsub.s32 $0x0, v4;
	v6 =	vand.u32 $0xFFFFFFE0, v6;
	v3 =	vor.u32 v5, v3  }
0x1b: {  	s26 =	simm.s32 $0x20;
	s25 =	simm.s32 $0x0;
	v4 =	vmin.u32 v4, v7;
	v3 =	vor.u32 v6, v3  }
.LBB2_2:
0x1c: {  	v5 =	vmov s26;
	p0 =	sne.s32 s26, $0x70;
	v4 =	vadd.s32 v4, v0;
	[tilespmem:s25+$0x0] =	vst v3;
	s28 =	smov.u32 s26;
	s26 =	sadd.s32 $0x10, s26  }
.Ltmp0:
0x1d: {  	v3 =	vshrl.u32 v5, $0x2;
	v5 =	vor.u32 s24, v1;
	vm0 =	vgt.s32 v4, $0x0;
	s24 =	smov.u32 s28;
	(pc) =	sbr.rel @p0 .LBB2_2-.Ltmp0, $4  }
0x1e: {  	v3 =	vand.u32 $0x18, v3;
	v5 =	vand.u32 $0x18, v5;
	v4 =	vnsel vm0, $0x0, v4  }
0x1f: {  	v3 =	vsub.s32 v2, v3;
	v6 =	vshll.u32 v4, $0x2;
	v4 =	vand.u32 $0x7, v4  }
0x20: {  	v7 =	vsub.s32 $0x0, v3;
	v6 =	vand.u32 $0xFFFFFFE0, v6;
	v5 =	vor.u32 v5, v4  }
0x21: {  	s25 =	sadd.s32 $0x10, s25;
	v4 =	vmin.u32 v3, v7;
	v3 =	vor.u32 v6, v5  }
0x22: {  	v4 =	vadd.s32 v4, v0  }
0x23: {  	vm0 =	vgt.s32 v4, $0x0  }
0x24: {  	v5 =	vor.u32 s24, v1;
	v4 =	vnsel vm0, $0x0, v4  }
0x25: {  	v5 =	vand.u32 $0x18, v5;
	v6 =	vshll.u32 v4, $0x2;
	v4 =	vand.u32 $0x7, v4  }
0x26: {  	v4 =	vor.u32 v5, v4;
	v63 =	vand.u32 $0xFFFFFFE0, v6  }
0x27: {  	[tilespmem:s25+$0x0] =	vst v3;
	s31 =	sadd.s32 $0x10, s25;
	v3 =	vor.u32 v63, v4  }
0x28: {  	[tilespmem:s31+$0x0] =	vst v3  }
0x29: {  	[tilespmem:s21], [sflag:$0x1] =	stream.indirect.gather [hbm4b:s2+s21], $0x80, s3, s21, $0xb8;
	[tilespmem:$0x4080] =	vst v63  }
0x2a: {  	_ =	swait.ge [sflag:s22], $0x4000  }
0x2b: {  	[sflag:s22] =	ssyncset.done $0x0  }
0x2c: {  	[sflag:s22] =	ssyncadd.s32 $0xFFFFC000  }
0x2d: {  	[hbm4b:s4+s3] =	stream.linear.scatter [tilespmem:s21], [sflag:$0x1], $0x4000, $0x38;
	[tilespmem:$0x4080] =	vst v63  }
0x2e: {  	_ = 	snop  }
0x2f: {  	[hbm4b:s6+s3] =	stream.linear.scatter [tilespmem:s21], [sflag:$0x1], $0x4000, $0x38;
	[tilespmem:$0x4080] =	vst v63  }
0x30: {  	_ = 	snop  }
0x31: {  	[hbm4b:s7+s3] =	stream.linear.scatter [tilespmem:s21], [sflag:$0x1], $0x4000, $0x38;
	[tilespmem:$0x4080] =	vst v63  }
0x32: {  	_ = 	snop  }
0x33: {  	[hbm4b:s8+s3] =	stream.linear.scatter [tilespmem:s21], [sflag:$0x1], $0x4000, $0x38;
	[tilespmem:$0x4080] =	vst v63  }
0x34: {  	_ = 	snop  }
0x35: {  	[hbm4b:s9+s3] =	stream.linear.scatter [tilespmem:s21], [sflag:$0x1], $0x4000, $0x38;
	[tilespmem:$0x4080] =	vst v63  }
0x36: {  	_ = 	snop  }
0x37: {  	[hbm4b:s10+s3] =	stream.linear.scatter [tilespmem:s21], [sflag:$0x1], $0x4000, $0x38;
	[tilespmem:$0x4080] =	vst v63  }
0x38: {  	_ = 	snop  }
0x39: {  	[hbm4b:s11+s3] =	stream.linear.scatter [tilespmem:s21], [sflag:$0x1], $0x4000, $0x38;
	[tilespmem:$0x4080] =	vst v63  }
0x3a: {  	_ = 	snop  }
0x3b: {  	[hbm4b:s12+s3] =	stream.linear.scatter [tilespmem:s21], [sflag:$0x1], $0x4000, $0x38;
	[tilespmem:$0x4080] =	vst v63  }
0x3c: {  	_ = 	snop  }
0x3d: {  	[hbm4b:s13+s3] =	stream.linear.scatter [tilespmem:s21], [sflag:$0x1], $0x4000, $0x38;
	[tilespmem:$0x4080] =	vst v63  }
0x3e: {  	_ = 	snop  }
0x3f: {  	[hbm4b:s14+s3] =	stream.linear.scatter [tilespmem:s21], [sflag:$0x1], $0x4000, $0x38;
	[tilespmem:$0x4080] =	vst v63  }
0x40: {  	_ = 	snop  }
0x41: {  	[hbm4b:s15+s3] =	stream.linear.scatter [tilespmem:s21], [sflag:$0x1], $0x4000, $0x38;
	[tilespmem:$0x4080] =	vst v63  }
0x42: {  	_ = 	snop  }
0x43: {  	[hbm4b:s16+s3] =	stream.linear.scatter [tilespmem:s21], [sflag:$0x1], $0x4000, $0x38;
	[tilespmem:$0x4080] =	vst v63  }
0x44: {  	_ = 	snop  }
0x45: {  	[hbm4b:s17+s3] =	stream.linear.scatter [tilespmem:s21], [sflag:$0x1], $0x4000, $0x38;
	[tilespmem:$0x4080] =	vst v63  }
0x46: {  	_ = 	snop  }
0x47: {  	[hbm4b:s18+s3] =	stream.linear.scatter [tilespmem:s21], [sflag:$0x1], $0x4000, $0x38;
	[tilespmem:$0x4080] =	vst v63  }
0x48: {  	_ = 	snop  }
0x49: {  	[hbm4b:s19+s3] =	stream.linear.scatter [tilespmem:s21], [sflag:$0x1], $0x4000, $0x38;
	[tilespmem:$0x4080] =	vst v63  }
0x4a: {  	_ = 	snop  }
0x4b: {  	[hbm4b:s20+s3] =	stream.linear.scatter [tilespmem:s21], [sflag:$0x1], $0x4000, $0x38;
	[tilespmem:$0x4080] =	vst v63  }
0x4c: {  	_ =	swait.ge [sflag:s22], $0x4000  }
0x4d: {  	[sflag:s22] =	ssyncset.done $0x0  }
0x4e: {  	[sflag:s22] =	ssyncadd.s32 $0xFFFFC000  }
0x4f: {  	_ =	swait.ge [sflag:s22], $0x4000  }
0x50: {  	[sflag:s22] =	ssyncset.done $0x0  }
0x51: {  	[sflag:s22] =	ssyncadd.s32 $0xFFFFC000  }
0x52: {  	_ =	swait.ge [sflag:s22], $0x4000  }
0x53: {  	[sflag:s22] =	ssyncset.done $0x0  }
0x54: {  	[sflag:s22] =	ssyncadd.s32 $0xFFFFC000  }
0x55: {  	_ =	swait.ge [sflag:s22], $0x4000  }
0x56: {  	[sflag:s22] =	ssyncset.done $0x0  }
0x57: {  	[sflag:s22] =	ssyncadd.s32 $0xFFFFC000  }
0x58: {  	_ =	swait.ge [sflag:s22], $0x4000  }
0x59: {  	[sflag:s22] =	ssyncset.done $0x0  }
0x5a: {  	[sflag:s22] =	ssyncadd.s32 $0xFFFFC000  }
0x5b: {  	_ =	swait.ge [sflag:s22], $0x4000  }
0x5c: {  	[sflag:s22] =	ssyncset.done $0x0  }
0x5d: {  	[sflag:s22] =	ssyncadd.s32 $0xFFFFC000  }
0x5e: {  	_ =	swait.ge [sflag:s22], $0x4000  }
0x5f: {  	[sflag:s22] =	ssyncset.done $0x0  }
0x60: {  	[sflag:s22] =	ssyncadd.s32 $0xFFFFC000  }
0x61: {  	_ =	swait.ge [sflag:s22], $0x4000  }
0x62: {  	[sflag:s22] =	ssyncset.done $0x0  }
0x63: {  	[sflag:s22] =	ssyncadd.s32 $0xFFFFC000  }
0x64: {  	_ =	swait.ge [sflag:s22], $0x4000  }
0x65: {  	[sflag:s22] =	ssyncset.done $0x0  }
0x66: {  	[sflag:s22] =	ssyncadd.s32 $0xFFFFC000  }
0x67: {  	_ =	swait.ge [sflag:s22], $0x4000  }
0x68: {  	[sflag:s22] =	ssyncset.done $0x0  }
0x69: {  	[sflag:s22] =	ssyncadd.s32 $0xFFFFC000  }
0x6a: {  	_ =	swait.ge [sflag:s22], $0x4000  }
0x6b: {  	[sflag:s22] =	ssyncset.done $0x0  }
0x6c: {  	[sflag:s22] =	ssyncadd.s32 $0xFFFFC000  }
0x6d: {  	_ =	swait.ge [sflag:s22], $0x4000  }
0x6e: {  	[sflag:s22] =	ssyncset.done $0x0  }
0x6f: {  	[sflag:s22] =	ssyncadd.s32 $0xFFFFC000  }
0x70: {  	_ =	swait.ge [sflag:s22], $0x4000  }
0x71: {  	[sflag:s22] =	ssyncset.done $0x0  }
0x72: {  	[sflag:s22] =	ssyncadd.s32 $0xFFFFC000  }
0x73: {  	_ =	swait.ge [sflag:s22], $0x4000  }
0x74: {  	[sflag:s22] =	ssyncset.done $0x0  }
0x75: {  	s23 =	sadd.s32 $0x1, s23;
	[sflag:s22] =	ssyncadd.s32 $0xFFFFC000  }
0x76: {  	p0 =	sne.s32 s23, s5;
	_ =	swait.ge [sflag:s22], $0x4000  }
.Ltmp1:
0x77: {  	[sflag:s22] =	ssyncset.done $0x0;
	(pc) =	sbr.rel @p0 .LBB2_1-.Ltmp1, $4  }
0x78: {  	[sflag:s22] =	ssyncadd.s32 $0xFFFFC000  }
0x79: {  	_ =	swait.ge [sflag:s22], $0x4000  }
0x7a: {  	[sflag:s22] =	ssyncset.done $0x0  }
0x7b: {  	[sflag:s22] =	ssyncadd.s32 $0xFFFFC000  }
0x7c: {  	_ =	sfence.sel $0x180000  }
0x7d: {  	[bflag:$0x0] =	sbarrier.arrive $0xFFFF  }
0x7e: {  	p0 =	sne.s32 s1, $0x0;
	_ =	strace $0x90000047  }
0x7f: {  	s0 =	sadd.s32 @!p0 $0x100000, s0;
	[bflag:$0x2] =	sbarrier.arrive $0xFFFF  }
0x80: {  	[sflag:s0] =	ssyncadd.tile.s32 @!p0 $0x1;
	_ =	shalt  }
.Lfunc_end2:
_tile_overlayer_lowered:
.L_overlay_start_2:
0x81: {  	(tag) =	ssettag $0x2  }
0x82: {  	s0 =	rddreg [dreg:$0x0];
	s2 =	stileid.u32  }
0x83: {  	s1 =	rddreg [dreg:$0x1];
	p0 =	sne.s32 s2, $0x0  }
0x84: {  	s3 =	rddreg [dreg:$0x2];
	[bflag:$0x3] =	sbarrier.arrive $0xFFFF;
	s2 =	simm.s32 @!p0 $0x1C02  }
0x85: {  	[timem:s3], [sflag:s2] =	dma.local @!p0 [hbm:s0], s1  }
0x86: {  	s0 =	simm.s32 @!p0 $0x2  }
0x87: {  	_ =	swait.ge @!p0 [sflag:s0], s1  }
0x88: {  	s1 =	ssub.s32 @!p0 $0x0, s1;
	[sflag:s0] =	ssyncset.done @!p0 $0x0  }
0x89: {  	[sflag:s0] =	ssyncadd.s32 @!p0 s1  }
0x8a: {  	[bflag:$0x3] =	sbarrier.arrive $0xFFFF  }
0x8b: {  	_ =	shalt  }

</sc_bundles>
